<compile_context>
chip_gen: v7x
topology: tpu7x:2x2x1
jax: 0.10.2.dev20260603
libtpu: 0.0.44.dev20260713+nightly
codegen_flags: <defaults>
</compile_context>

<pallas_src>
import functools

import jax
import jax.numpy as jnp
import numpy as np
from jax import lax
from jax.experimental import pallas as pl
from jax.experimental.pallas import tpu as pltpu
from jax.experimental.pallas import tpu_sc as plsc

_NUM_CORES = 2
_NUM_SUBCORES = 16
_LANES = 16
_NUM_WORKERS = _NUM_CORES * _NUM_SUBCORES

_B, _D, _G = 16384, 11, 10
_ROWS = _B // _NUM_WORKERS
_STEPS = _ROWS // _LANES

_T2_BITS = (0x3C23D70A, 0x3D23D70A, 0x3DB851EC, 0x3E23D70A, 0x3E800000,
            0x3EB851EC, 0x3EFAE146, 0x3F23D70A, 0x3F4F5C2A)
_T2 = tuple(float(np.uint32(b).view(np.float32)) for b in _T2_BITS)


def _vfrho_body(x1_hbm, y1_hbm, x2_hbm, y2_hbm, dgt_hbm, out_hbm,
                x1_v, y1_v, x2_v, y2_v, dg_v, idx_v, out_v, zsem, gsem):
    wid = lax.axis_index("s") * _NUM_CORES + lax.axis_index("c")
    base = wid * _ROWS
    chunk = pl.ds(base, _ROWS)

    z_copies = [
        pltpu.async_copy(x1_hbm.at[chunk], x1_v, zsem),
        pltpu.async_copy(y1_hbm.at[chunk], y1_v, zsem),
        pltpu.async_copy(x2_hbm.at[chunk], x2_v, zsem),
        pltpu.async_copy(y2_hbm.at[chunk], y2_v, zsem),
    ]
    def issue_dg(g, carry):
        pltpu.make_async_copy(
            dgt_hbm.at[pl.ds(g * _B + base, _ROWS)],
            dg_v.at[pl.ds(g * _ROWS, _ROWS)], gsem).start()
        return carry
    lax.fori_loop(0, _G, issue_dg, 0)
    for c in z_copies:
        c.wait()

    lane = lax.iota(jnp.int32, _LANES)
    t2 = [jnp.full((_LANES,), v, jnp.float32) for v in _T2]

    def step_bucket(i, carry):
        sl = pl.ds(i * _LANES, _LANES)
        dx = x2_v[sl] - x1_v[sl]
        dy = y2_v[sl] - y1_v[sl]
        r2 = dx * dx + dy * dy
        bucket = jnp.zeros((_LANES,), jnp.int32)
        for c in t2:
            bucket = bucket + (r2 >= c).astype(jnp.int32)
        idx_v[sl] = bucket * _ROWS + (lane + i * _LANES)
        return carry
    lax.fori_loop(0, _STEPS, step_bucket, 0)

    pltpu.make_async_copy(dgt_hbm.at[pl.ds(0, _G * _ROWS)], dg_v, gsem).wait()

    def step_gather(i, carry):
        sl = pl.ds(i * _LANES, _LANES)
        out_v[sl] = plsc.load_gather(dg_v, [idx_v[sl]])
        return carry
    lax.fori_loop(0, _STEPS, step_gather, 0)
    pltpu.sync_copy(out_v, out_hbm.at[chunk])


_vfrho_sc = functools.partial(
    pl.kernel,
    out_type=jax.ShapeDtypeStruct((_B,), jnp.float32),
    mesh=plsc.VectorSubcoreMesh(core_axis_name="c", subcore_axis_name="s"),
    compiler_params=pltpu.CompilerParams(
        needs_layout_passes=False, allow_input_fusion=[0, 1, 2, 3, 4]),
    scratch_types=[
        pltpu.VMEM((_ROWS,), jnp.float32),
        pltpu.VMEM((_ROWS,), jnp.float32),
        pltpu.VMEM((_ROWS,), jnp.float32),
        pltpu.VMEM((_ROWS,), jnp.float32),
        pltpu.VMEM((_G * _ROWS,), jnp.float32),
        pltpu.VMEM((_ROWS,), jnp.int32),
        pltpu.VMEM((_ROWS,), jnp.float32),
        pltpu.SemaphoreType.DMA,
        pltpu.SemaphoreType.DMA,
    ],
)(_vfrho_body)


def kernel(z_1, z_2, dist_grade):
    dgt = dist_grade.T.reshape(-1)
    return _vfrho_sc(z_1[:, 0], z_1[:, 2], z_2[:, 0], z_2[:, 2], dgt)

# --- scband reference (transcript-rebuilt; emitter-appended) ---
"""Pipeline reference for scband-vfrho-5549097747172 (READ-ONLY COPY).

The authoritative reference and input builder live on the scoring server;
editing this copy changes nothing except your own understanding.
"""

import jax, jax.numpy as jnp
import numpy as np


def setup_inputs(seed: int = 0) -> dict:
    key = jax.random.key(seed)
    k1, k2, k3 = jax.random.split(key, 3)
    B, D, G = 16384, 11, 10
    z_1 = jax.random.normal(k1, (B, D), dtype=jnp.float32)
    z_2 = jax.random.normal(k2, (B, D), dtype=jnp.float32)
    dist_grade = jax.random.uniform(k3, (B, G), dtype=jnp.float32)
    return {"z_1": z_1, "z_2": z_2, "dist_grade": dist_grade}


def _to_center(z):
    return jnp.stack((z[:, 0], z[:, 2]))


def _cart2pol(x, y):
    rho = jnp.sqrt(x ** 2 + y ** 2)
    phi = jnp.arctan2(y, x)
    phi = jnp.rad2deg(phi)
    return rho, phi


def reference(z_1, z_2, dist_grade):
    c_1 = _to_center(z_1)
    c_2 = _to_center(z_2)
    dir_vec = c_2 - c_1
    # dir_vec[1] = -dir_vec[1] (functional form)
    x = dir_vec[0]
    y = -dir_vec[1]
    rho, phi = _cart2pol(x, y)
    G = dist_grade.shape[1]
    grade_weight = 1.0 / G
    # dist_id[b] = number of thresholds (i/G, i=1..G-1) that rho[b] meets or exceeds
    thresholds = grade_weight * jnp.arange(1, G, dtype=jnp.float32)
    dist_id = jnp.sum((rho[:, None] >= thresholds[None, :]).astype(jnp.int32), axis=1)
    # one-hot scatter: dist_pred[b, dist_id[b]] = 1
    dist_pred = jax.nn.one_hot(dist_id, G, dtype=dist_grade.dtype)
    return (dist_grade * dist_pred).sum(axis=1)

if __name__ == "__main__":
    import jax
    _d = setup_inputs()
    print(jax.jit(kernel)(*tuple(_d.values())))

</pallas_src>

<mosaic_0001>
#map = affine_map<(d0, d1) -> (0)>
module attributes {stable_mosaic.version = 14 : i64} {
  func.func @_vfrho_body(%arg0: i32, %arg1: i32, %arg2: memref<16384xf32, #tpu.memory_space<hbm>>, %arg3: memref<16384xf32, #tpu.memory_space<hbm>>, %arg4: memref<16384xf32, #tpu.memory_space<hbm>>, %arg5: memref<16384xf32, #tpu.memory_space<hbm>>, %arg6: memref<163840xf32, #tpu.memory_space<hbm>>, %arg7: memref<16384xf32, #tpu.memory_space<hbm>>, %arg8: memref<512xf32, #tpu.memory_space<vmem>>, %arg9: memref<512xf32, #tpu.memory_space<vmem>>, %arg10: memref<512xf32, #tpu.memory_space<vmem>>, %arg11: memref<512xf32, #tpu.memory_space<vmem>>, %arg12: memref<5120xf32, #tpu.memory_space<vmem>>, %arg13: memref<512xi32, #tpu.memory_space<vmem>>, %arg14: memref<512xf32, #tpu.memory_space<vmem>>, %arg15: memref<!tpu.dma_semaphore, #tpu.memory_space<semaphore_mem>>, %arg16: memref<!tpu.dma_semaphore, #tpu.memory_space<semaphore_mem>>) attributes {dimension_semantics = [#tpu.dimension_semantics<core_parallel>, #tpu.dimension_semantics<subcore_parallel>], iteration_bounds = array<i64: 2, 16>, scalar_prefetch = 0 : i64, scratch_operands = 9 : i64, tpu.core_type = #tpu.core_type<sc_vector_subcore>, window_params = [{transform_indices = #map}, {transform_indices = #map}, {transform_indices = #map}, {transform_indices = #map}, {transform_indices = #map}, {transform_indices = #map}]} {
    %mul3A = arith.constant 2 : i32
    %mul3A_0 = arith.muli %arg1, %mul3A : i32
    %add3A = arith.addi %mul3A_0, %arg0 : i32
    %mul3A_1 = arith.constant 512 : i32
    %mul3A_2 = arith.muli %add3A, %mul3A_1 : i32
    %dma_start3A = tpu.memref_slice %arg2[%mul3A_2] : memref<16384xf32, #tpu.memory_space<hbm>> -> memref<512xf32, #tpu.memory_space<hbm>>
    %dma_start3A_3 = tpu.memref_slice %arg2[%mul3A_2] : memref<16384xf32, #tpu.memory_space<hbm>> -> memref<512xf32, #tpu.memory_space<hbm>>
    tpu.enqueue_dma source(%dma_start3A_3 : memref<512xf32, #tpu.memory_space<hbm>>) target(%arg8 : memref<512xf32, #tpu.memory_space<vmem>>) target_semaphore(%arg15 : memref<!tpu.dma_semaphore, #tpu.memory_space<semaphore_mem>>)
    %dma_start3A_4 = tpu.memref_slice %arg3[%mul3A_2] : memref<16384xf32, #tpu.memory_space<hbm>> -> memref<512xf32, #tpu.memory_space<hbm>>
    %dma_start3A_5 = tpu.memref_slice %arg3[%mul3A_2] : memref<16384xf32, #tpu.memory_space<hbm>> -> memref<512xf32, #tpu.memory_space<hbm>>
    tpu.enqueue_dma source(%dma_start3A_5 : memref<512xf32, #tpu.memory_space<hbm>>) target(%arg9 : memref<512xf32, #tpu.memory_space<vmem>>) target_semaphore(%arg15 : memref<!tpu.dma_semaphore, #tpu.memory_space<semaphore_mem>>)
    %dma_start3A_6 = tpu.memref_slice %arg4[%mul3A_2] : memref<16384xf32, #tpu.memory_space<hbm>> -> memref<512xf32, #tpu.memory_space<hbm>>
    %dma_start3A_7 = tpu.memref_slice %arg4[%mul3A_2] : memref<16384xf32, #tpu.memory_space<hbm>> -> memref<512xf32, #tpu.memory_space<hbm>>
    tpu.enqueue_dma source(%dma_start3A_7 : memref<512xf32, #tpu.memory_space<hbm>>) target(%arg10 : memref<512xf32, #tpu.memory_space<vmem>>) target_semaphore(%arg15 : memref<!tpu.dma_semaphore, #tpu.memory_space<semaphore_mem>>)
    %dma_start3A_8 = tpu.memref_slice %arg5[%mul3A_2] : memref<16384xf32, #tpu.memory_space<hbm>> -> memref<512xf32, #tpu.memory_space<hbm>>
    %dma_start3A_9 = tpu.memref_slice %arg5[%mul3A_2] : memref<16384xf32, #tpu.memory_space<hbm>> -> memref<512xf32, #tpu.memory_space<hbm>>
    tpu.enqueue_dma source(%dma_start3A_9 : memref<512xf32, #tpu.memory_space<hbm>>) target(%arg11 : memref<512xf32, #tpu.memory_space<vmem>>) target_semaphore(%arg15 : memref<!tpu.dma_semaphore, #tpu.memory_space<semaphore_mem>>)
    %scan3A = arith.constant 0 : i32
    %scan3A_10 = arith.constant 0 : i32
    %scan3A_11 = arith.constant 10 : i32
    %scan3A_12 = arith.addi %scan3A_10, %scan3A_11 : i32
    %scan3A_13 = arith.constant 1 : i32
    scf.for %scan3A_55 = %scan3A_10 to %scan3A_12 step %scan3A_13  : i32 {
      %mul3A_56 = arith.constant 16384 : i32
      %mul3A_57 = arith.muli %scan3A_55, %mul3A_56 : i32
      %add3A_58 = arith.addi %mul3A_57, %mul3A_2 : i32
      %mul3A_59 = arith.constant 512 : i32
      %mul3A_60 = arith.muli %scan3A_55, %mul3A_59 : i32
      %dma_start3A_61 = tpu.memref_slice %arg12[%mul3A_60] : memref<5120xf32, #tpu.memory_space<vmem>> -> memref<512xf32, #tpu.memory_space<vmem>>
      %dma_start3A_62 = tpu.memref_slice %arg6[%add3A_58] : memref<163840xf32, #tpu.memory_space<hbm>> -> memref<512xf32, #tpu.memory_space<hbm>>
      %dma_start3A_63 = tpu.memref_slice %arg12[%mul3A_60] : memref<5120xf32, #tpu.memory_space<vmem>> -> memref<512xf32, #tpu.memory_space<vmem>>
      %dma_start3A_64 = tpu.memref_slice %arg6[%add3A_58] : memref<163840xf32, #tpu.memory_space<hbm>> -> memref<512xf32, #tpu.memory_space<hbm>>
      tpu.enqueue_dma source(%dma_start3A_64 : memref<512xf32, #tpu.memory_space<hbm>>) target(%dma_start3A_63 : memref<512xf32, #tpu.memory_space<vmem>>) target_semaphore(%arg16 : memref<!tpu.dma_semaphore, #tpu.memory_space<semaphore_mem>>)
    }
    %scan3A_14 = arith.constant 10 : i32
    %dma_wait3A = tpu.memref_slice %arg2[%mul3A_2] : memref<16384xf32, #tpu.memory_space<hbm>> -> memref<512xf32, #tpu.memory_space<hbm>>
    %dma_wait3A_15 = tpu.memref_slice %arg2[%mul3A_2] : memref<16384xf32, #tpu.memory_space<hbm>> -> memref<512xf32, #tpu.memory_space<hbm>>
    tpu.wait_dma2 semaphore(%arg15 : memref<!tpu.dma_semaphore, #tpu.memory_space<semaphore_mem>>) src(%dma_wait3A_15 : memref<512xf32, #tpu.memory_space<hbm>>) dst(%arg8 : memref<512xf32, #tpu.memory_space<vmem>>)
    %dma_wait3A_16 = tpu.memref_slice %arg3[%mul3A_2] : memref<16384xf32, #tpu.memory_space<hbm>> -> memref<512xf32, #tpu.memory_space<hbm>>
    %dma_wait3A_17 = tpu.memref_slice %arg3[%mul3A_2] : memref<16384xf32, #tpu.memory_space<hbm>> -> memref<512xf32, #tpu.memory_space<hbm>>
    tpu.wait_dma2 semaphore(%arg15 : memref<!tpu.dma_semaphore, #tpu.memory_space<semaphore_mem>>) src(%dma_wait3A_17 : memref<512xf32, #tpu.memory_space<hbm>>) dst(%arg9 : memref<512xf32, #tpu.memory_space<vmem>>)
    %dma_wait3A_18 = tpu.memref_slice %arg4[%mul3A_2] : memref<16384xf32, #tpu.memory_space<hbm>> -> memref<512xf32, #tpu.memory_space<hbm>>
    %dma_wait3A_19 = tpu.memref_slice %arg4[%mul3A_2] : memref<16384xf32, #tpu.memory_space<hbm>> -> memref<512xf32, #tpu.memory_space<hbm>>
    tpu.wait_dma2 semaphore(%arg15 : memref<!tpu.dma_semaphore, #tpu.memory_space<semaphore_mem>>) src(%dma_wait3A_19 : memref<512xf32, #tpu.memory_space<hbm>>) dst(%arg10 : memref<512xf32, #tpu.memory_space<vmem>>)
    %dma_wait3A_20 = tpu.memref_slice %arg5[%mul3A_2] : memref<16384xf32, #tpu.memory_space<hbm>> -> memref<512xf32, #tpu.memory_space<hbm>>
    %dma_wait3A_21 = tpu.memref_slice %arg5[%mul3A_2] : memref<16384xf32, #tpu.memory_space<hbm>> -> memref<512xf32, #tpu.memory_space<hbm>>
    tpu.wait_dma2 semaphore(%arg15 : memref<!tpu.dma_semaphore, #tpu.memory_space<semaphore_mem>>) src(%dma_wait3A_21 : memref<512xf32, #tpu.memory_space<hbm>>) dst(%arg11 : memref<512xf32, #tpu.memory_space<vmem>>)
    %iota3A = tpu.iota {dimensions = array<i32: 0>} : vector<16xi32>
    %broadcast_in_dim3A = arith.constant 0.00999999977 : f32
    %broadcast_in_dim3A_22 = vector.broadcast %broadcast_in_dim3A : f32 to vector<16xf32>
    %broadcast_in_dim3A_23 = arith.constant 4.000000e-02 : f32
    %broadcast_in_dim3A_24 = vector.broadcast %broadcast_in_dim3A_23 : f32 to vector<16xf32>
    %broadcast_in_dim3A_25 = arith.constant 9.000000e-02 : f32
    %broadcast_in_dim3A_26 = vector.broadcast %broadcast_in_dim3A_25 : f32 to vector<16xf32>
    %broadcast_in_dim3A_27 = arith.constant 1.600000e-01 : f32
    %broadcast_in_dim3A_28 = vector.broadcast %broadcast_in_dim3A_27 : f32 to vector<16xf32>
    %broadcast_in_dim3A_29 = arith.constant 2.500000e-01 : f32
    %broadcast_in_dim3A_30 = vector.broadcast %broadcast_in_dim3A_29 : f32 to vector<16xf32>
    %broadcast_in_dim3A_31 = arith.constant 3.600000e-01 : f32
    %broadcast_in_dim3A_32 = vector.broadcast %broadcast_in_dim3A_31 : f32 to vector<16xf32>
    %broadcast_in_dim3A_33 = arith.constant 0.48999995 : f32
    %broadcast_in_dim3A_34 = vector.broadcast %broadcast_in_dim3A_33 : f32 to vector<16xf32>
    %broadcast_in_dim3A_35 = arith.constant 6.400000e-01 : f32
    %broadcast_in_dim3A_36 = vector.broadcast %broadcast_in_dim3A_35 : f32 to vector<16xf32>
    %broadcast_in_dim3A_37 = arith.constant 0.810000061 : f32
    %broadcast_in_dim3A_38 = vector.broadcast %broadcast_in_dim3A_37 : f32 to vector<16xf32>
    %scan3A_39 = arith.constant 0 : i32
    %scan3A_40 = arith.constant 0 : i32
    %scan3A_41 = arith.constant 32 : i32
    %scan3A_42 = arith.addi %scan3A_40, %scan3A_41 : i32
    %scan3A_43 = arith.constant 1 : i32
    scf.for %scan3A_55 = %scan3A_40 to %scan3A_42 step %scan3A_43  : i32 {
      %mul3A_56 = arith.constant 16 : i32
      %mul3A_57 = arith.muli %scan3A_55, %mul3A_56 : i32
      %get3A = arith.index_cast %mul3A_57 : i32 to index
      %get3A_58 = tpu.vector_load %arg10[%get3A] {strides = array<i32>} : memref<512xf32, #tpu.memory_space<vmem>>, vector<16xf32>,
      %get3A_59 = arith.index_cast %mul3A_57 : i32 to index
      %get3A_60 = tpu.vector_load %arg8[%get3A_59] {strides = array<i32>} : memref<512xf32, #tpu.memory_space<vmem>>, vector<16xf32>,
      %sub3A = arith.subf %get3A_58, %get3A_60 : vector<16xf32>
      %get3A_61 = arith.index_cast %mul3A_57 : i32 to index
      %get3A_62 = tpu.vector_load %arg11[%get3A_61] {strides = array<i32>} : memref<512xf32, #tpu.memory_space<vmem>>, vector<16xf32>,
      %get3A_63 = arith.index_cast %mul3A_57 : i32 to index
      %get3A_64 = tpu.vector_load %arg9[%get3A_63] {strides = array<i32>} : memref<512xf32, #tpu.memory_space<vmem>>, vector<16xf32>,
      %sub3A_65 = arith.subf %get3A_62, %get3A_64 : vector<16xf32>
      %mul3A_66 = arith.mulf %sub3A, %sub3A : vector<16xf32>
      %mul3A_67 = arith.mulf %sub3A_65, %sub3A_65 : vector<16xf32>
      %add3A_68 = arith.addf %mul3A_66, %mul3A_67 : vector<16xf32>
      %broadcast_in_dim3A_69 = arith.constant 0 : i32
      %broadcast_in_dim3A_70 = vector.broadcast %broadcast_in_dim3A_69 : i32 to vector<16xi32>
      %ge3A = arith.cmpf oge, %add3A_68, %broadcast_in_dim3A_22 : vector<16xf32>
      %convert_element_type3A = arith.extui %ge3A : vector<16xi1> to vector<16xi32>
      %add3A_71 = arith.addi %broadcast_in_dim3A_70, %convert_element_type3A : vector<16xi32>
      %ge3A_72 = arith.cmpf oge, %add3A_68, %broadcast_in_dim3A_24 : vector<16xf32>
      %convert_element_type3A_73 = arith.extui %ge3A_72 : vector<16xi1> to vector<16xi32>
      %add3A_74 = arith.addi %add3A_71, %convert_element_type3A_73 : vector<16xi32>
      %ge3A_75 = arith.cmpf oge, %add3A_68, %broadcast_in_dim3A_26 : vector<16xf32>
      %convert_element_type3A_76 = arith.extui %ge3A_75 : vector<16xi1> to vector<16xi32>
      %add3A_77 = arith.addi %add3A_74, %convert_element_type3A_76 : vector<16xi32>
      %ge3A_78 = arith.cmpf oge, %add3A_68, %broadcast_in_dim3A_28 : vector<16xf32>
      %convert_element_type3A_79 = arith.extui %ge3A_78 : vector<16xi1> to vector<16xi32>
      %add3A_80 = arith.addi %add3A_77, %convert_element_type3A_79 : vector<16xi32>
      %ge3A_81 = arith.cmpf oge, %add3A_68, %broadcast_in_dim3A_30 : vector<16xf32>
      %convert_element_type3A_82 = arith.extui %ge3A_81 : vector<16xi1> to vector<16xi32>
      %add3A_83 = arith.addi %add3A_80, %convert_element_type3A_82 : vector<16xi32>
      %ge3A_84 = arith.cmpf oge, %add3A_68, %broadcast_in_dim3A_32 : vector<16xf32>
      %convert_element_type3A_85 = arith.extui %ge3A_84 : vector<16xi1> to vector<16xi32>
      %add3A_86 = arith.addi %add3A_83, %convert_element_type3A_85 : vector<16xi32>
      %ge3A_87 = arith.cmpf oge, %add3A_68, %broadcast_in_dim3A_34 : vector<16xf32>
      %convert_element_type3A_88 = arith.extui %ge3A_87 : vector<16xi1> to vector<16xi32>
      %add3A_89 = arith.addi %add3A_86, %convert_element_type3A_88 : vector<16xi32>
      %ge3A_90 = arith.cmpf oge, %add3A_68, %broadcast_in_dim3A_36 : vector<16xf32>
      %convert_element_type3A_91 = arith.extui %ge3A_90 : vector<16xi1> to vector<16xi32>
      %add3A_92 = arith.addi %add3A_89, %convert_element_type3A_91 : vector<16xi32>
      %ge3A_93 = arith.cmpf oge, %add3A_68, %broadcast_in_dim3A_38 : vector<16xf32>
      %convert_element_type3A_94 = arith.extui %ge3A_93 : vector<16xi1> to vector<16xi32>
      %add3A_95 = arith.addi %add3A_92, %convert_element_type3A_94 : vector<16xi32>
      %mul3A_96 = arith.constant 512 : i32
      %mul3A_97 = vector.broadcast %mul3A_96 : i32 to vector<16xi32>
      %mul3A_98 = arith.muli %add3A_95, %mul3A_97 : vector<16xi32>
      %mul3A_99 = arith.constant 16 : i32
      %mul3A_100 = arith.muli %scan3A_55, %mul3A_99 : i32
      %add3A_101 = vector.broadcast %mul3A_100 : i32 to vector<16xi32>
      %add3A_102 = arith.addi %iota3A, %add3A_101 : vector<16xi32>
      %add3A_103 = arith.addi %mul3A_98, %add3A_102 : vector<16xi32>
      %swap3A = arith.index_cast %mul3A_57 : i32 to index
      %swap3A_104 = tpu.vector_load %arg13[%swap3A] {strides = array<i32>} : memref<512xi32, #tpu.memory_space<vmem>>, vector<16xi32>,
      tpu.vector_store %arg13[%swap3A], %add3A_103 {strides = array<i32>} : memref<512xi32, #tpu.memory_space<vmem>>, vector<16xi32>,
    }
    %scan3A_44 = arith.constant 32 : i32
    %dma_wait3A_45 = arith.constant 0 : i32
    %dma_wait3A_46 = tpu.memref_slice %arg6[%dma_wait3A_45] : memref<163840xf32, #tpu.memory_space<hbm>> -> memref<5120xf32, #tpu.memory_space<hbm>>
    %dma_wait3A_47 = arith.constant 0 : i32
    %dma_wait3A_48 = tpu.memref_slice %arg6[%dma_wait3A_47] : memref<163840xf32, #tpu.memory_space<hbm>> -> memref<5120xf32, #tpu.memory_space<hbm>>
    tpu.wait_dma2 semaphore(%arg16 : memref<!tpu.dma_semaphore, #tpu.memory_space<semaphore_mem>>) src(%dma_wait3A_48 : memref<5120xf32, #tpu.memory_space<hbm>>) dst(%arg12 : memref<5120xf32, #tpu.memory_space<vmem>>)
    %scan3A_49 = arith.constant 0 : i32
    %scan3A_50 = arith.constant 0 : i32
    %scan3A_51 = arith.constant 32 : i32
    %scan3A_52 = arith.addi %scan3A_50, %scan3A_51 : i32
    %scan3A_53 = arith.constant 1 : i32
    scf.for %scan3A_55 = %scan3A_50 to %scan3A_52 step %scan3A_53  : i32 {
      %mul3A_56 = arith.constant 16 : i32
      %mul3A_57 = arith.muli %scan3A_55, %mul3A_56 : i32
      %get3A = arith.index_cast %mul3A_57 : i32 to index
      %get3A_58 = tpu.vector_load %arg13[%get3A] {strides = array<i32>} : memref<512xi32, #tpu.memory_space<vmem>>, vector<16xi32>,
      %gather3A = tpu.vector_load_idx %arg12[%get3A_58] : memref<5120xf32, #tpu.memory_space<vmem>>[vector<16xi32>], vector<16xf32>,
      %swap3A = arith.index_cast %mul3A_57 : i32 to index
      %swap3A_59 = tpu.vector_load %arg14[%swap3A] {strides = array<i32>} : memref<512xf32, #tpu.memory_space<vmem>>, vector<16xf32>,
      tpu.vector_store %arg14[%swap3A], %gather3A {strides = array<i32>} : memref<512xf32, #tpu.memory_space<vmem>>, vector<16xf32>,
    }
    %scan3A_54 = arith.constant 32 : i32
    "tpu.region"() ({
      %run_scoped3A = tpu.sem_alloc : memref<!tpu.dma_semaphore, #tpu.memory_space<semaphore_mem>>
      %dma_start3A_55 = tpu.memref_slice %arg7[%mul3A_2] : memref<16384xf32, #tpu.memory_space<hbm>> -> memref<512xf32, #tpu.memory_space<hbm>>
      %dma_start3A_56 = tpu.memref_slice %arg7[%mul3A_2] : memref<16384xf32, #tpu.memory_space<hbm>> -> memref<512xf32, #tpu.memory_space<hbm>>
      tpu.enqueue_dma source(%arg14 : memref<512xf32, #tpu.memory_space<vmem>>) target(%dma_start3A_56 : memref<512xf32, #tpu.memory_space<hbm>>) target_semaphore(%run_scoped3A : memref<!tpu.dma_semaphore, #tpu.memory_space<semaphore_mem>>)
      %dma_wait3A_57 = tpu.memref_slice %arg7[%mul3A_2] : memref<16384xf32, #tpu.memory_space<hbm>> -> memref<512xf32, #tpu.memory_space<hbm>>
      %dma_wait3A_58 = tpu.memref_slice %arg7[%mul3A_2] : memref<16384xf32, #tpu.memory_space<hbm>> -> memref<512xf32, #tpu.memory_space<hbm>>
      tpu.wait_dma2 semaphore(%run_scoped3A : memref<!tpu.dma_semaphore, #tpu.memory_space<semaphore_mem>>) src(%arg14 : memref<512xf32, #tpu.memory_space<vmem>>) dst(%dma_wait3A_58 : memref<512xf32, #tpu.memory_space<hbm>>)
      tpu.yield
    }) : () -> ()
    return
  }
}

</mosaic_0001>

<sc_bundles>
// kernel: kernel.3.cloned.1.call-start
scs
__scs_entry_jumppad:
0x0: {  	(pc) =	sbr.rel $0x88, $3  }
0x1: {  	(tag) =	ssettag $0x0;
	lr =	simm.s32 $0x1  }
0x2: {  	[smem:$0x3F9E] =	sst lr;
	_ =	strace $0xD0000000  }
0x3: {  	_ = 	snop  }
0x4: {  	_ = 	snop  }
0x5: {  	_ = 	snop  }
0x6: {  	_ = 	snop  }
0x7: {  	_ = 	snop  }
__scs_overlays_trampoline_lowered:
0x8: {  	[smem:$0x3FAD] =	sst s0  }
0x9: {  	[smem:$0x3FAE] =	sst s1  }
0xa: {  	[smem:$0x3FAF] =	sst s2  }
0xb: {  	[smem:$0x3FB0] =	sst s3  }
0xc: {  	[smem:$0x3FB1] =	sst s4  }
0xd: {  	[smem:$0x3FB2] =	sst s5  }
0xe: {  	[smem:$0x3FB3] =	sst s6  }
0xf: {  	[smem:$0x3FB4] =	sst s7  }
0x10: {  	[smem:$0x3FB5] =	sst s8  }
0x11: {  	[smem:$0x3FB6] =	sst s9;
	s0 =	simm.s32 @!p0 $0x0  }
0x12: {  	s1 =	sld [smem:$0x3F9C];
	s0 =	simm.s32 @p0 $0x1  }
0x13: {  	[smem:$0x3FB7] =	sst s0;
	s0 =	simm.s32 @!p1 $0x0  }
0x14: {  	s2 =	sld [smem:$0x3F9B];
	s0 =	simm.s32 @p1 $0x1  }
0x15: {  	[smem:$0x3FB8] =	sst s0;
	s0 =	simm.s32 @!p2 $0x0  }
0x16: {  	s3 =	sld [smem:$0x3FDB];
	s0 =	simm.s32 @p2 $0x1  }
0x17: {  	s4 =	simm.s32 $0x1BF5;
	[smem:$0x3FBA] =	sst s0  }
0x18: {  	s0 =	sld [smem:$0x3F9D];
	_ =	swait.ge [sflag:s4], $0x0  }
0x19: {  	s7 =	sld [smem:$0x3F9E]  }
0x1a: {  	s8 =	sadd.s32 $0xFFFFE003, lr  }
0x1b: {  	s9 =	sadd.s32 $0xFFFFFEF7, lr;
	s5 =	simm.s32 $0xFFFFFFFF;
	p2 =	slt.u32 s8, $0xFFFFF086  }
0x1c: {  	p1 =	slt.u32 s9, $0xF7A;
	s5 =	simm.s32 @!p2 $0x0  }
0x1d: {  	s5 =	simm.s32 @p1 $0x1;
	p0 =	seq.s32 s7, s2  }
0x1e: {  	s7 =	smul.u32 @!p0 $0xF7A, s2;
	p2 =	seq.s32 @!p0 s5, $0x0  }
0x1f: {  	s9 =	smul.u32 $0xF7A, s1;
	s8 =	simm.s32 @!p0 $0x1BF5;
	p2 =	por !p2, p0  }
0x20: {  	[sflag:s8] =	ssyncset.s32 @!p0 $0xFFFFF086;
	s6 =	sadd.s32 @!p0 s3, s7;
	s7 =	simm.s32 @!p0 $0x108  }
0x21: {  	s3 =	sadd.s32 s3, s9;
	s6 =	sadd.s32 @!p0 $0x88, s6;
	s7 =	simm.s32 @p2 $0x1082  }
0x22: {  	[simem:s7], [sflag:s8] =	dma.local @!p0 [hbm:s6], $0xF7A  }
0x23: {  	s9 =	sor.u32 $0xD0000000, s2;
	s6 =	simm.s32 $0x108;
	_ =	swait.ge @!p0 [sflag:s8], $0x0  }
0x24: {  	s3 =	sadd.s32 $0x88, s3;
	s6 =	simm.s32 @!p1 $0x1082;
	[sflag:s4] =	ssyncset.s32 $0xFFFFF086  }
0x25: {  	[simem:s6], [sflag:s4] =	dma.local [hbm:s3], $0xF7A  }
0x26: {  	[smem:$0x3F9E] =	sst s1;
	(tag) =	ssettag s2;
	_ =	strace s9  }
0x27: {  	s1 =	sld [smem:$0x3FAE]  }
0x28: {  	s2 =	sld [smem:$0x3FAF]  }
0x29: {  	s4 =	sld [smem:$0x3FB1]  }
0x2a: {  	p0 =	seq.s32 s5, $0x0;
	s5 =	sld [smem:$0x3FB2]  }
0x2b: {  	s6 =	sld [smem:$0x3FB3]  }
0x2c: {  	s7 =	sld [smem:$0x3FB4]  }
0x2d: {  	s3 =	simm.s32 $0x108;
	s8 =	sld [smem:$0x3FB5]  }
0x2e: {  	s3 =	simm.s32 @!p0 $0x1082;
	s9 =	sld [smem:$0x3FB6]  }
0x2f: {  	lr =	sadd.s32 s0, s3;
	s0 =	sld [smem:$0x3FAD]  }
0x30: {  	s3 =	sld [smem:$0x3FB0]  }
0x31: {  	[smem:$0x3FB9] =	sst s10  }
0x32: {  	s10 =	sld [smem:$0x3FB7];
	_ =	sdelay $0x3  }
0x33: {  	p0 =	seq.s32 s10, $0x1;
	s10 =	sld [smem:$0x3FB9];
	_ =	sdelay $0x3  }
0x34: {  	[smem:$0x3FB9] =	sst s10  }
0x35: {  	s10 =	sld [smem:$0x3FB8];
	_ =	sdelay $0x3  }
0x36: {  	p1 =	seq.s32 s10, $0x1;
	s10 =	sld [smem:$0x3FB9];
	_ =	sdelay $0x3  }
0x37: {  	[smem:$0x3FB9] =	sst s10  }
0x38: {  	s10 =	sld [smem:$0x3FBA]  }
0x39: {  	_ = 	snop;
	(pc) =	sbr.ind lr, $3  }
0x3a: {  	_ = 	snop  }
0x3b: {  	_ = 	snop  }
0x3c: {  	p2 =	seq.s32 s10, $0x1;
	s10 =	sld [smem:$0x3FB9]  }
0x3d: {  	_ =	shalt  }
0x3e: {  	_ =	shalt  }
0x3f: {  	_ =	shalt  }
0x40: {  	_ =	shalt  }
0x41: {  	_ =	shalt  }
0x42: {  	_ =	shalt  }
0x43: {  	_ =	shalt  }
0x44: {  	_ =	shalt  }
0x45: {  	_ =	shalt  }
0x46: {  	_ =	shalt  }
0x47: {  	_ =	shalt  }
0x48: {  	_ =	shalt  }
0x49: {  	_ =	shalt  }
0x4a: {  	_ =	shalt  }
0x4b: {  	_ =	shalt  }
0x4c: {  	_ =	shalt  }
0x4d: {  	_ =	shalt  }
0x4e: {  	_ =	shalt  }
0x4f: {  	_ =	shalt  }
0x50: {  	_ =	shalt  }
0x51: {  	_ =	shalt  }
0x52: {  	_ =	shalt  }
0x53: {  	_ =	shalt  }
0x54: {  	_ =	shalt  }
0x55: {  	_ =	shalt  }
0x56: {  	_ =	shalt  }
0x57: {  	_ =	shalt  }
0x58: {  	_ =	shalt  }
0x59: {  	_ =	shalt  }
0x5a: {  	_ =	shalt  }
0x5b: {  	_ =	shalt  }
0x5c: {  	_ =	shalt  }
0x5d: {  	_ =	shalt  }
0x5e: {  	_ =	shalt  }
0x5f: {  	_ =	shalt  }
0x60: {  	_ =	shalt  }
0x61: {  	_ =	shalt  }
0x62: {  	_ =	shalt  }
0x63: {  	_ =	shalt  }
0x64: {  	_ =	shalt  }
0x65: {  	_ =	shalt  }
0x66: {  	_ =	shalt  }
0x67: {  	_ =	shalt  }
0x68: {  	_ =	shalt  }
0x69: {  	_ =	shalt  }
0x6a: {  	_ =	shalt  }
0x6b: {  	_ =	shalt  }
0x6c: {  	_ =	shalt  }
0x6d: {  	_ =	shalt  }
0x6e: {  	_ =	shalt  }
0x6f: {  	_ =	shalt  }
0x70: {  	_ =	shalt  }
0x71: {  	_ =	shalt  }
0x72: {  	_ =	shalt  }
0x73: {  	_ =	shalt  }
0x74: {  	_ =	shalt  }
0x75: {  	_ =	shalt  }
0x76: {  	_ =	shalt  }
0x77: {  	_ =	shalt  }
0x78: {  	_ =	shalt  }
0x79: {  	_ =	shalt  }
0x7a: {  	_ =	shalt  }
0x7b: {  	_ =	shalt  }
0x7c: {  	_ =	shalt  }
0x7d: {  	_ =	shalt  }
0x7e: {  	_ =	shalt  }
0x7f: {  	_ =	shalt  }
0x80: {  	_ =	shalt  }
0x81: {  	_ =	shalt  }
0x82: {  	_ =	shalt  }
0x83: {  	_ =	shalt  }
0x84: {  	_ =	shalt  }
0x85: {  	_ =	shalt  }
0x86: {  	_ =	shalt  }
0x87: {  	_ =	shalt  }
.Lfunc_end0:
.L_simem_size_0:
called_computation_lowered:
.L_overlay_start_0:
0x88: {  	s2 =	sld [smem:$0x3FD9]  }
0x89: {  	s3 =	sld [smem:$0x3FFE];
	_ =	sdelay $0x1  }
0x8a: {  	s1 =	srdreg.scid  }
0x8b: {  	s0 =	sand.u32 $0x1, s1  }
0x8c: {  	s17 =	sshll.u32 s0, $0xA;
	s2 =	sadd.s32 s3, s2  }
0x8d: {  	s2 =	sadd.s32 s2, s17  }
0x8e: {  	[smem:$0x3FC5] =	sst s2  }
0x8f: {  	_ = 	snop  }
0x90: {  	s2 =	sld [smem:$0x3FD0];
	(tm) =	ssettm $0x1  }
0x91: {  	s18 =	sld [smem:$0x3FFB];
	_ =	sdelay $0x3  }
0x92: {  	_ =	strace s18  }
0x93: {  	s3 =	sld [smem:$0x3FFC];
	_ =	sdelay $0x3  }
0x94: {  	_ =	strace s3  }
0x95: {  	s3 =	sld [smem:$0x3FFD];
	_ =	sdelay $0x3  }
0x96: {  	_ =	strace s3  }
0x97: {  	_ =	strace $0x8FFFFFFF  }
0x98: {  	s19 =	sld [smem:$0x3FDB];
	_ =	sdelay $0x1  }
0x99: {  	s4 =	simm.s32 $_scs_section_size  }
0x9a: {  	s5 =	simm.s32 $_size__tile_overlayer_lowered;
	s6 =	simm.s32 $_tile_overlayer_lowered  }
0x9b: {  	s22 =	simm.s32 $0x1BFF;
	s21 =	sshll.u32 s6, $0x1;
	s3 =	sadd.s32 s4, s19  }
0x9c: {  	s7 =	simm.s32 $0x0;
	s20 =	sshll.u32 s5, $0x1;
	s5 =	sadd.s32 s21, s3  }
0x9d: {  	[timem:s7], [sflag:s22] =	dma.local [hbm:s5], s20  }
0x9e: {  	_ =	swait.ge [sflag:s22], s20  }
0x9f: {  	s4 =	ssub.s32 $0x0, s20;
	[sflag:s22] =	ssyncset.done $0x0  }
0xa0: {  	[sflag:s22] =	ssyncadd.s32 s4;
	_ =	sdelay $0x1  }
0xa1: {  	s23 =	simm.s32 $0x1B8B  }
0xa2: {  	_ =	swait.ge [sflag:s23], $0x1  }
0xa3: {  	[sflag:s23] =	ssyncset.done $0x0  }
0xa4: {  	s25 =	simm.s32 $0x1B8E;
	s24 =	sld [smem:$0x3FFE];
	[sflag:s23] =	ssyncadd.s32 $0xFFFFFFFF  }
0xa5: {  	s26 =	simm.s32 $execute0_lowered;
	[smem:$0x3FD2] =	sst s25  }
0xa6: {  	s5 =	sshll.u32 s26, $0x1;
	_ =	strace $0x80000046;
	[dreg:$0x1] =	wrdreg $0xFFFFFFFF  }
0xa7: {  	s28 =	simm.s32 $_size_execute0_lowered;
	s3 =	sadd.s32 s3, s5;
	[dreg:$0x0] =	wrdreg $0x0  }
0xa8: {  	s5 =	sshll.u32 s28, $0x1;
	[dreg:$0x2] =	wrdreg s3  }
0xa9: {  	[dreg:$0x3] =	wrdreg s5  }
0xaa: {  	[dreg:$0x4] =	wrdreg $0xC0  }
0xab: {  	_ =	task [dreg:s7], $0x5FFFF  }
0xac: {  	[dreg:$0x1] =	wrdreg $0xFFFFFFFF  }
0xad: {  	[dreg:$0x0] =	wrdreg $0x60  }
0xae: {  	[dreg:$0x2] =	wrdreg s24  }
0xaf: {  	[dreg:$0x3] =	wrdreg s2  }
0xb0: {  	[dreg:$0x4] =	wrdreg $0x9  }
0xb1: {  	_ =	task.clear_ibuf [dreg:s7], $0x5FFFF;
	_ =	strace $0x90000046  }
0xb2: {  	s29 =	simm.s32 $0x9;
	_ =	strace $0x80000048  }
0xb3: {  	_ =	swait.ge [sflag:s29], $0x1  }
0xb4: {  	[sflag:s29] =	ssyncadd.s32 $0xFFFFFFFF  }
0xb5: {  	_ =	strace $0x90000048  }
0xb6: {  	_ =	sfence  }
0xb7: {  	s30 =	sld [smem:$0x0];
	_ =	sdelay $0x2  }
0xb8: {  	s31 =	sshll.u32 s1, $0xD;
	s1 =	sshrl.u32 s1, $0x2  }
0xb9: {  	s3 =	sand.u32 $0x4000, s31;
	s1 =	sadd.s32 s1, s30  }
0xba: {  	s0 =	sor.u32 s3, s0;
	s1 =	sshll.u32 s1, $0x11  }
0xbb: {  	s0 =	sor.u32 s1, s0  }
0xbc: {  	s0 =	sadd.s32 $0x8F2B, s0  }
0xbd: {  	[sflag:s0] =	ssyncadd.remote.s32 $0x1  }
0xbe: {  	_ =	sfence.sel $0xFFFF  }
0xbf: {  	[dreg:$0x0] =	wrdreg $0xFFFFFFFF;
	(pc) =	sbr.abs _section_cstart, $3  }
0xc0: {  	[dreg:$0x1] =	wrdreg $0xFFFFFFFF  }
0xc1: {  	_ =	task.clear_ibuf [dreg:s7], $0x2FFFF;
	_ =	strace $0x9FFFFFFF  }
0xc2: {  	(tm) =	ssettm $0x7FFFFFFF  }
0xc3: {  	_ =	shalt  }
tec
execute0_lowered:
.L_overlay_start_1:
0x0: {  	(tag) =	ssettag $0x1  }
0x1: {  	s0 =	rddreg [dreg:$0x0];
	s1 =	srdreg.scid  }
0x2: {  	s7 =	rddreg [dreg:$0x1];
	s2 =	stileid.u32;
	s19 =	simm.s32 $0x800  }
0x3: {  	s29 =	simm.s32 $0x1A00;
	s30 =	simm.s32 $0x1;
	s31 =	simm.s32 $0x2  }
0x4: {  	s20 =	simm.s32 $0x0;
	s1 =	sand.u32 $0x1, s1;
	s3 =	sshll.u32 s2, $0x7  }
0x5: {  	s2 =	simm.s32 $0x0;
	s4 =	sshll.u32 s1, $0x6;
	s1 =	ssub.s32 $0x2, s1  }
0x6: {  	[smem:$0x7FF] =	sst s2;
	s8 =	sor.u32 s4, s3;
	s28 =	sshrl.u32 s1, $0x1  }
0x7: {  	_ =	strace $0x80000047;
	s0 =	sadd.s32 s8, s0;
	s1 =	ssub.s32 s1, s28  }
0x8: {  	s7 =	sadd.s32 s7, s8;
	s3 =	sadd.s32 $0x1000, s0;
	s4 =	sadd.s32 $0x800, s0  }
0x9: {  	s5 =	sadd.s32 $0x2000, s0;
	s6 =	sadd.s32 $0x1800, s0;
	s8 =	smax.u32 s1, $0x1  }
0xa: {  	s9 =	sadd.s32 $0x2800, s0;
	s10 =	sadd.s32 $0x3000, s0;
	s11 =	sadd.s32 $0x3800, s0  }
0xb: {  	s12 =	sadd.s32 $0x4000, s0;
	s13 =	sadd.s32 $0x4800, s0;
	s14 =	sadd.s32 $0x5000, s0  }
0xc: {  	s15 =	sadd.s32 $0x5800, s0;
	s16 =	sadd.s32 $0x6000, s0;
	s17 =	sadd.s32 $0x6800, s0  }
0xd: {  	v0 =	vimm.s32 $0x0;
	v1 =	vlaneseq.u32;
	s18 =	sadd.s32 $0x7000, s0;
	s0 =	simm.s32 $0x1E00;
	s1 =	simm.s32 $0x3  }
.LBB2_1:
0xe: {  	[tilespmem:s2], [sflag:$0x1] =	stream.linear.gather [hbm4b:s3+s2], $0x200, $0x38;
	[tilespmem:$0x2000] =	vst v63  }
0xf: {  	s21 =	simm.s32 $0x200  }
0x10: {  	[tilespmem:s21], [sflag:$0x1] =	stream.linear.gather [hbm4b:s4+s2], $0x200, $0x38;
	[tilespmem:$0x2000] =	vst v63  }
0x11: {  	s22 =	simm.s32 $0x400  }
0x12: {  	[tilespmem:s22], [sflag:$0x1] =	stream.linear.gather [hbm4b:s5+s2], $0x200, $0x38;
	[tilespmem:$0x2000] =	vst v63  }
0x13: {  	s23 =	simm.s32 $0x600  }
0x14: {  	[tilespmem:s23], [sflag:$0x1] =	stream.linear.gather [hbm4b:s6+s2], $0x200, $0x38;
	[tilespmem:$0x2000] =	vst v63  }
0x15: {  	_ = 	snop  }
0x16: {  	[tilespmem:s19], [sflag:$0x2] =	stream.linear.gather [hbm4b:s9+s2], $0x200, $0x38;
	[tilespmem:$0x2000] =	vst v63  }
0x17: {  	s24 =	simm.s32 $0xA00  }
0x18: {  	[tilespmem:s24], [sflag:$0x2] =	stream.linear.gather [hbm4b:s10+s2], $0x200, $0x38;
	[tilespmem:$0x2000] =	vst v63  }
0x19: {  	s26 =	simm.s32 $0xC00  }
0x1a: {  	[tilespmem:s26], [sflag:$0x2] =	stream.linear.gather [hbm4b:s11+s2], $0x200, $0x38;
	[tilespmem:$0x2000] =	vst v63  }
0x1b: {  	s25 =	simm.s32 $0xE00  }
0x1c: {  	[tilespmem:s25], [sflag:$0x2] =	stream.linear.gather [hbm4b:s12+s2], $0x200, $0x38;
	[tilespmem:$0x2000] =	vst v63  }
0x1d: {  	s26 =	simm.s32 $0x1000  }
0x1e: {  	[tilespmem:s26], [sflag:$0x2] =	stream.linear.gather [hbm4b:s13+s2], $0x200, $0x38;
	[tilespmem:$0x2000] =	vst v63  }
0x1f: {  	s25 =	simm.s32 $0x1200  }
0x20: {  	[tilespmem:s25], [sflag:$0x2] =	stream.linear.gather [hbm4b:s14+s2], $0x200, $0x38;
	[tilespmem:$0x2000] =	vst v63  }
0x21: {  	s26 =	simm.s32 $0x1400  }
0x22: {  	[tilespmem:s26], [sflag:$0x2] =	stream.linear.gather [hbm4b:s15+s2], $0x200, $0x38;
	[tilespmem:$0x2000] =	vst v63  }
0x23: {  	s25 =	simm.s32 $0x1600  }
0x24: {  	[tilespmem:s25], [sflag:$0x2] =	stream.linear.gather [hbm4b:s16+s2], $0x200, $0x38;
	[tilespmem:$0x2000] =	vst v63  }
0x25: {  	s26 =	simm.s32 $0x1800  }
0x26: {  	[tilespmem:s26], [sflag:$0x2] =	stream.linear.gather [hbm4b:s17+s2], $0x200, $0x38;
	[tilespmem:$0x2000] =	vst v63  }
0x27: {  	_ = 	snop  }
0x28: {  	[tilespmem:s29], [sflag:$0x2] =	stream.linear.gather [hbm4b:s18+s2], $0x200, $0x38;
	[tilespmem:$0x2000] =	vst v63  }
0x29: {  	_ =	swait.ge [sflag:s30], $0x200  }
0x2a: {  	[sflag:s30] =	ssyncset.done $0x0  }
0x2b: {  	[sflag:s30] =	ssyncadd.s32 $0xFFFFFE00  }
0x2c: {  	_ =	swait.ge [sflag:s30], $0x200  }
0x2d: {  	[sflag:s30] =	ssyncset.done $0x0  }
0x2e: {  	[sflag:s30] =	ssyncadd.s32 $0xFFFFFE00  }
0x2f: {  	_ =	swait.ge [sflag:s30], $0x200  }
0x30: {  	[sflag:s30] =	ssyncset.done $0x0  }
0x31: {  	[sflag:s30] =	ssyncadd.s32 $0xFFFFFE00  }
0x32: {  	_ =	swait.ge [sflag:s30], $0x200  }
0x33: {  	[sflag:s30] =	ssyncset.done $0x0  }
0x34: {  	[sflag:s30] =	ssyncadd.s32 $0xFFFFFE00  }
0x35: {  	v2 =	vld [tilespmem:s21+$0x0]  }
0x36: {  	v3 =	vld [tilespmem:s23+$0x0]  }
0x37: {  	v4 =	vld [tilespmem:s2+$0x0]  }
0x38: {  	v5 =	vld [tilespmem:s22+$0x0];
	_ =	sdelay $0x4  }
0x39: {  	v4 =	vsub.f32 v5, v4;
	v2 =	vsub.f32 v3, v2;
	_ =	sdelay $0x1  }
0x3a: {  	v3 =	vmul.f32 v4, v4;
	v2 =	vmul.f32 v2, v2;
	_ =	sdelay $0x1  }
0x3b: {  	v2 =	vadd.f32 v2, v3;
	_ =	sdelay $0x1  }
0x3c: {  	vm0 =	vge.f32 v2, $9.999999770e-03;
	vm1 =	vge.f32 v2, $3.999999910e-02  }
0x3d: {  	vm9 =	vge.f32 v2, $9.000000350e-02;
	v3 =	vsel vm0, $0x1, v0;
	v4 =	vsel vm1, $0x1, v0  }
0x3e: {  	vm10 =	vge.f32 v2, $1.599999960e-01;
	v3 =	vadd.s32 v4, v3;
	v4 =	vsel vm9, $0x1, v0  }
0x3f: {  	vm11 =	vge.f32 v2, $2.500000000e-01;
	v3 =	vadd.s32 v4, v3;
	v4 =	vsel vm10, $0x1, v0  }
0x40: {  	vm12 =	vge.f32 v2, $3.600000140e-01;
	v3 =	vadd.s32 v4, v3;
	v4 =	vsel vm11, $0x1, v0  }
0x41: {  	vm13 =	vge.f32 v2, $4.899999500e-01;
	v3 =	vadd.s32 v4, v3;
	v4 =	vsel vm12, $0x1, v0  }
0x42: {  	vm14 =	vge.f32 v2, $6.399999860e-01;
	v3 =	vadd.s32 v4, v3;
	v4 =	vsel vm13, $0x1, v0  }
0x43: {  	vm15 =	vge.f32 v2, $8.100000610e-01;
	v3 =	vadd.s32 v4, v3;
	v4 =	vsel vm14, $0x1, v0  }
0x44: {  	v2 =	vadd.s32 v4, v3;
	v3 =	vsel vm15, $0x1, v0  }
0x45: {  	v2 =	vadd.s32 v3, v2  }
0x46: {  	v2 =	vshll.u32 v2, $0x9  }
0x47: {  	v2 =	vadd.s32 s2, v2  }
0x48: {  	s21 =	simm.s32 $0x1C00;
	v2 =	vadd.s32 v1, v2  }
0x49: {  	s23 =	simm.s32 $0x210;
	[tilespmem:s21+$0x0] =	vst v2  }
0x4a: {  	s24 =	simm.s32 $0x610;
	v2 =	vld [tilespmem:s23+$0x0]  }
0x4b: {  	s22 =	simm.s32 $0x10;
	v3 =	vld [tilespmem:s24+$0x0]  }
0x4c: {  	s25 =	simm.s32 $0x410;
	v4 =	vld [tilespmem:s22+$0x0]  }
0x4d: {  	s28 =	simm.s32 $0x10;
	s26 =	simm.s32 $0x20;
	v5 =	vld [tilespmem:s25+$0x0]  }
.LBB2_2:
0x4e: {  	p0 =	sne.s32 s26, $0x1F0;
	_ =	sdelay $0x3  }
0x4f: {  	v2 =	vsub.f32 v3, v2;
	v4 =	vsub.f32 v5, v4;
	_ =	sdelay $0x1  }
0x50: {  	v2 =	vmul.f32 v2, v2;
	v3 =	vmul.f32 v4, v4;
	_ =	sdelay $0x1  }
0x51: {  	v2 =	vadd.f32 v2, v3;
	_ =	sdelay $0x1  }
0x52: {  	vm0 =	vge.f32 v2, $9.999999770e-03;
	vm1 =	vge.f32 v2, $3.999999910e-02  }
0x53: {  	v3 =	vsel vm0, $0x1, v0;
	v4 =	vsel vm1, $0x1, v0;
	vm0 =	vge.f32 v2, $9.000000350e-02  }
0x54: {  	v3 =	vadd.s32 v4, v3;
	v4 =	vsel vm0, $0x1, v0;
	vm0 =	vge.f32 v2, $1.599999960e-01  }
0x55: {  	v3 =	vadd.s32 v4, v3;
	v4 =	vsel vm0, $0x1, v0;
	vm0 =	vge.f32 v2, $2.500000000e-01  }
0x56: {  	v3 =	vadd.s32 v4, v3;
	v4 =	vsel vm0, $0x1, v0;
	vm0 =	vge.f32 v2, $3.600000140e-01  }
0x57: {  	v3 =	vadd.s32 v4, v3;
	v4 =	vsel vm0, $0x1, v0;
	vm0 =	vge.f32 v2, $4.899999500e-01  }
0x58: {  	v3 =	vadd.s32 v4, v3;
	v4 =	vsel vm0, $0x1, v0;
	vm0 =	vge.f32 v2, $6.399999860e-01  }
0x59: {  	v3 =	vadd.s32 v4, v3;
	v4 =	vsel vm0, $0x1, v0;
	vm0 =	vge.f32 v2, $8.100000610e-01  }
0x5a: {  	v2 =	vadd.s32 v4, v3;
	v3 =	vsel vm0, $0x1, v0  }
0x5b: {  	v2 =	vadd.s32 v3, v2  }
0x5c: {  	v2 =	vshll.u32 v2, $0x9  }
0x5d: {  	v2 =	vadd.s32 s22, v2;
	s22 =	smov.u32 s26  }
0x5e: {  	s21 =	sadd.s32 $0x10, s21;
	v2 =	vadd.s32 v1, v2  }
.Ltmp0:
0x5f: {  	s23 =	sadd.s32 $0x10, s23;
	[tilespmem:s21+$0x0] =	vst v2;
	(pc) =	sbr.rel @p0 .LBB2_2-.Ltmp0, $4  }
0x60: {  	s24 =	sadd.s32 $0x10, s24;
	v2 =	vld [tilespmem:s23+$0x0]  }
0x61: {  	s28 =	sadd.s32 $0x10, s28;
	v3 =	vld [tilespmem:s24+$0x0]  }
0x62: {  	s25 =	sadd.s32 $0x10, s25;
	v4 =	vld [tilespmem:s28+$0x0]  }
0x63: {  	s26 =	sadd.s32 $0x10, s26;
	v5 =	vld [tilespmem:s25+$0x0]  }
0x64: {  	_ =	sdelay $0x3  }
0x65: {  	v2 =	vsub.f32 v3, v2;
	v4 =	vsub.f32 v5, v4;
	_ =	sdelay $0x1  }
0x66: {  	v2 =	vmul.f32 v2, v2;
	v3 =	vmul.f32 v4, v4;
	_ =	sdelay $0x1  }
0x67: {  	v2 =	vadd.f32 v2, v3;
	_ =	sdelay $0x1  }
0x68: {  	vm0 =	vge.f32 v2, $9.999999770e-03;
	vm1 =	vge.f32 v2, $3.999999910e-02  }
0x69: {  	vm9 =	vge.f32 v2, $9.000000350e-02;
	v3 =	vsel vm0, $0x1, v0;
	v57 =	vsel vm1, $0x1, v0  }
0x6a: {  	vm10 =	vge.f32 v2, $1.599999960e-01;
	v58 =	vsel vm9, $0x1, v0;
	v3 =	vadd.s32 v57, v3  }
0x6b: {  	vm11 =	vge.f32 v2, $2.500000000e-01;
	v59 =	vsel vm10, $0x1, v0;
	v3 =	vadd.s32 v58, v3  }
0x6c: {  	vm12 =	vge.f32 v2, $3.600000140e-01;
	v60 =	vsel vm11, $0x1, v0;
	v3 =	vadd.s32 v59, v3  }
0x6d: {  	vm13 =	vge.f32 v2, $4.899999500e-01;
	v61 =	vsel vm12, $0x1, v0;
	v3 =	vadd.s32 v60, v3  }
0x6e: {  	vm14 =	vge.f32 v2, $6.399999860e-01;
	v62 =	vsel vm13, $0x1, v0;
	v3 =	vadd.s32 v61, v3  }
0x6f: {  	vm15 =	vge.f32 v2, $8.100000610e-01;
	v63 =	vsel vm14, $0x1, v0;
	v3 =	vadd.s32 v62, v3  }
0x70: {  	v2 =	vadd.s32 v63, v3;
	v3 =	vsel vm15, $0x1, v0  }
0x71: {  	v2 =	vadd.s32 v3, v2  }
0x72: {  	v2 =	vshll.u32 v2, $0x9  }
0x73: {  	v2 =	vadd.s32 s22, v2  }
0x74: {  	s21 =	sadd.s32 $0x10, s21;
	v2 =	vadd.s32 v1, v2  }
0x75: {  	[tilespmem:s21+$0x0] =	vst v2  }
0x76: {  	_ =	swait.ge [sflag:s31], $0x1400  }
0x77: {  	[sflag:s31] =	ssyncset.done $0x0  }
0x78: {  	s21 =	simm.s32 $0x0;
	[sflag:s31] =	ssyncadd.s32 $0xFFFFEC00  }
0x79: {  	v2 =	vld [tilespmem:s21+$0x1C00];
	_ =	sdelay $0x7  }
0x7a: {  	s23 =	simm.s32 $0x80;
	s22 =	simm.s32 $0x10;
	v2 =	vld.idx.msk [tilespmem:v2+s19+$0x0], $0xffff  }
.LBB2_4:
0x7b: {  	p0 =	sne.s32 s23, $0x7C0;
	v3 =	vld [tilespmem:s22+$0x1C00];
	_ =	sdelay $0x3  }
.Ltmp1:
0x7c: {  	(pc) =	sbr.rel @p0 .LBB2_4-.Ltmp1, $2  }
0x7d: {  	[tilespmem:s21+$0x1E00] =	vst v2;
	s21 =	smov.u32 s22;
	_ =	sdelay $0x2  }
0x7e: {  	s22 =	sshra.s32 s23, $0x2;
	s23 =	sadd.s32 $0x40, s23;
	v2 =	vld.idx.msk [tilespmem:v3+s19+$0x0], $0xffff  }
0x7f: {  	v3 =	vld [tilespmem:s22+$0x1C00];
	_ =	sdelay $0x6  }
0x80: {  	[tilespmem:s21+$0x1E00] =	vst v2  }
0x81: {  	v2 =	vld.idx.msk [tilespmem:v3+s19+$0x0], $0xffff;
	_ =	sdelay $0x2  }
0x82: {  	s20 =	sadd.s32 $0x1, s20  }
0x83: {  	p0 =	sne.s32 s20, s8  }
.Ltmp2:
0x84: {  	[tilespmem:s22+$0x1E00] =	vst v2;
	(pc) =	sbr.rel @p0 .LBB2_1-.Ltmp2, $4  }
0x85: {  	[hbm4b:s7+s2] =	stream.linear.scatter [tilespmem:s0], [sflag:$0x3], $0x200, $0x38;
	[tilespmem:$0x2000] =	vst v63  }
0x86: {  	_ =	swait.ge [sflag:s1], $0x200  }
0x87: {  	[sflag:s1] =	ssyncset.done $0x0  }
0x88: {  	[sflag:s1] =	ssyncadd.s32 $0xFFFFFE00  }
0x89: {  	_ =	sfence.sel $0x180000  }
0x8a: {  	[bflag:$0x0] =	sbarrier.arrive $0xFFFF  }
0x8b: {  	_ =	strace $0x90000047  }
0x8c: {  	s0 =	stileid.u32;
	[bflag:$0x2] =	sbarrier.arrive $0xFFFF  }
0x8d: {  	p0 =	sne.s32 s0, $0x0;
	s0 =	rddreg [dreg:$0x2]  }
0x8e: {  	s0 =	sadd.s32 @!p0 $0x100000, s0  }
0x8f: {  	[sflag:s0] =	ssyncadd.tile.s32 @!p0 $0x1;
	_ =	shalt  }
.Lfunc_end2:
_tile_overlayer_lowered:
.L_overlay_start_2:
0x90: {  	(tag) =	ssettag $0x2  }
0x91: {  	s0 =	rddreg [dreg:$0x0];
	s2 =	stileid.u32  }
0x92: {  	s1 =	rddreg [dreg:$0x1];
	p0 =	sne.s32 s2, $0x0  }
0x93: {  	s3 =	rddreg [dreg:$0x2];
	[bflag:$0x3] =	sbarrier.arrive $0xFFFF;
	s2 =	simm.s32 @!p0 $0x1C03  }
0x94: {  	[timem:s3], [sflag:s2] =	dma.local @!p0 [hbm:s0], s1  }
0x95: {  	s0 =	simm.s32 @!p0 $0x3  }
0x96: {  	_ =	swait.ge @!p0 [sflag:s0], s1  }
0x97: {  	s1 =	ssub.s32 @!p0 $0x0, s1;
	[sflag:s0] =	ssyncset.done @!p0 $0x0  }
0x98: {  	[sflag:s0] =	ssyncadd.s32 @!p0 s1  }
0x99: {  	[bflag:$0x3] =	sbarrier.arrive $0xFFFF  }
0x9a: {  	_ =	shalt  }

</sc_bundles>
